<compile_context>
chip_gen: v7x
topology: tpu7x:2x2x1
jax: 0.10.2.dev20260603
libtpu: 0.0.44.dev20260713+nightly
codegen_flags: <defaults>
</compile_context>

<pallas_src>
import functools

import jax
import jax.numpy as jnp
from jax import lax
from jax.experimental import pallas as pl
from jax.experimental.pallas import tpu as pltpu
from jax.experimental.pallas import tpu_sc as plsc

_B, _N, _D = 1024, 1000, 128


def _sc_gather(current_node, capacity, used_capacity, psi_flat, coords_zc):
    info = plsc.get_sparse_core_info()
    nc, ns, nl = info.num_cores, info.num_subcores, info.num_lanes
    nw = nc * ns
    bpw = _B // nw

    mesh = plsc.VectorSubcoreMesh(core_axis_name="c", subcore_axis_name="s")

    @functools.partial(
        pl.kernel,
        out_type=(
            jax.ShapeDtypeStruct((_B, _D), jnp.float32),
            jax.ShapeDtypeStruct((_B, 4), jnp.float32),
        ),
        mesh=mesh,
        scratch_types=[
            pltpu.VMEM((bpw,), jnp.int32),
            pltpu.VMEM((2 * bpw,), jnp.int32),
            pltpu.VMEM((bpw,), jnp.float32),
            pltpu.VMEM((bpw,), jnp.float32),
            pltpu.VMEM((bpw, _D), jnp.float32),
            pltpu.VMEM((2 * bpw, 128), jnp.float32),
            pltpu.VMEM((bpw, 4), jnp.float32),
            pltpu.SemaphoreType.DMA,
            pltpu.SemaphoreType.DMA,
        ],
        compiler_params=pltpu.CompilerParams(needs_layout_passes=False),
    )
    def gather_kernel(node_hbm, cap_hbm, used_hbm, psi_hbm, zc_hbm,
                      psi_out, ex_out,
                      idx_v, idx2_v, cap_v, used_v, rows_v, cbuf_v, ex_v,
                      sem_a, sem_b):
        wid = lax.axis_index("s") * nc + lax.axis_index("c")
        base = wid * bpw
        btile2 = lax.shift_right_logical(base, 7) * 2
        lane0 = base & 127
        cp_n = pltpu.async_copy(node_hbm.at[pl.ds(base, bpw)], idx_v, sem_a)
        cp_c = pltpu.async_copy(cap_hbm.at[pl.ds(base, bpw)], cap_v, sem_a)
        cp_u = pltpu.async_copy(used_hbm.at[pl.ds(base, bpw)], used_v, sem_a)
        cp_n.wait()
        cp_c.wait()
        cp_u.wait()
        for j in range(bpw // nl):
            sl = pl.ds(j * nl, nl)
            iv = j * nl + lax.iota(jnp.int32, nl)
            node = idx_v[sl]
            crow = node * 16 + btile2
            idx2_v[sl] = crow
            idx2_v[pl.ds(bpw + j * nl, nl)] = crow + 1
            idx_v[sl] = (base + iv) * _N + node
            cap = cap_v[sl]
            cap_norm = (cap - used_v[sl]) / jnp.maximum(cap, 1e-8)
            live = jnp.where(node != 0, 1.0, 0.0).astype(jnp.float32)
            plsc.store_scatter(ex_v, [iv, jnp.full((nl,), 0, jnp.int32)],
                               cap_norm)
            plsc.store_scatter(ex_v, [iv, jnp.full((nl,), 1, jnp.int32)],
                               live)
        cp_a = pltpu.async_copy(psi_hbm.at[idx_v], rows_v, sem_a)
        cp_b = pltpu.async_copy(zc_hbm.at[idx2_v], cbuf_v, sem_b)
        cp_b.wait()
        for c in range(2):
            for h in range(bpw // nl):
                iv = h * nl + lax.iota(jnp.int32, nl)
                vals = plsc.load_gather(cbuf_v, [c * bpw + iv, lane0 + iv])
                plsc.store_scatter(
                    ex_v, [iv, jnp.full((nl,), 2 + c, jnp.int32)], vals)
        pltpu.sync_copy(ex_v, ex_out.at[pl.ds(base, bpw)])
        cp_a.wait()
        pltpu.sync_copy(rows_v, psi_out.at[pl.ds(base, bpw)])

    return gather_kernel(current_node, capacity, used_capacity, psi_flat,
                         coords_zc)


def _tc_project_body(psi_ref, ex_ref, tf_ref, wqt_ref, q_ref, cc2_ref):
    ex = ex_ref[...]
    psi = psi_ref[...] * ex[:, 1:2]
    q = lax.dot_general(psi, wqt_ref[0:_D, :],
                        (((1,), (0,)), ((), ())),
                        preferred_element_type=jnp.float32)
    t_col = jnp.full((_B, 1), tf_ref[0, 0], jnp.float32)
    extras = jnp.concatenate([ex[:, 0:1], t_col, ex[:, 2:4]], axis=1)
    q = q + lax.dot_general(extras, wqt_ref[_D:, :],
                            (((1,), (0,)), ((), ())),
                            preferred_element_type=jnp.float32)
    q_ref[...] = q
    cc = ex[:, 2:4].reshape(8, 128, 2)
    cc2_ref[...] = jnp.transpose(cc, (0, 2, 1)).reshape(16, 128)


def _tc_project(psi_curr, ex, t_frac, wqt):
    return pl.pallas_call(
        _tc_project_body,
        out_shape=(
            jax.ShapeDtypeStruct((_B, _D), jnp.float32),
            jax.ShapeDtypeStruct((16, 128), jnp.float32),
        ),
        in_specs=[
            pl.BlockSpec(memory_space=pltpu.VMEM),
            pl.BlockSpec(memory_space=pltpu.VMEM),
            pl.BlockSpec(memory_space=pltpu.SMEM),
            pl.BlockSpec(memory_space=pltpu.VMEM),
        ],
        out_specs=(
            pl.BlockSpec(memory_space=pltpu.VMEM),
            pl.BlockSpec(memory_space=pltpu.VMEM),
        ),
    )(psi_curr, ex, t_frac, wqt)


def kernel(psi_prime, current_node, capacity, used_capacity, coords, step,
           n_customers, Wq):
    psi_flat = psi_prime.reshape(_B * _N, _D)
    zc = (coords.transpose(1, 0, 2).reshape(_N, 8, 128, 2)
          .transpose(0, 1, 3, 2).reshape(_N * 16, 128))
    psi_curr, ex = _sc_gather(current_node, capacity, used_capacity,
                              psi_flat, zc)

    t_frac = (jnp.asarray(step, jnp.float32)
              / jnp.maximum(jnp.asarray(n_customers, jnp.float32), 1.0))
    t_frac = t_frac.reshape(1, 1)
    query, cc16 = _tc_project(psi_curr, ex, t_frac, Wq.T)
    current_coords = (cc16.reshape(8, 2, 128).transpose(0, 2, 1)
                      .reshape(_B, 2))
    return (query, current_coords)

# --- scband reference (transcript-rebuilt; emitter-appended) ---
"""Pipeline reference for scband-context-and-query-87076166960130 (READ-ONLY COPY).

The authoritative reference and input builder live on the scoring server;
editing this copy changes nothing except your own understanding.
"""

import jax, jax.numpy as jnp
import numpy as np

B, N, D = 1024, 1000, 128
CTX = D + 1 + 1 + 2

def setup_inputs(seed: int = 0) -> dict:
    key = jax.random.key(seed)
    ks = jax.random.split(key, 6)
    psi_prime = jax.random.normal(ks[0], (B, N, D), dtype=jnp.float32)
    current_node = jax.random.randint(ks[1], (B,), 0, N, dtype=jnp.int32)
    capacity = jax.random.uniform(ks[2], (B,), dtype=jnp.float32)
    used_capacity = jax.random.uniform(ks[3], (B,), dtype=jnp.float32)
    coords = jax.random.uniform(ks[4], (B, N, 2), dtype=jnp.float32)
    limit = float(np.sqrt(6.0 / (CTX + D)))
    Wq = jax.random.uniform(ks[5], (D, CTX), minval=-limit, maxval=limit, dtype=jnp.float32)
    return {
        'psi_prime': psi_prime,
        'current_node': current_node,
        'capacity': capacity,
        'used_capacity': used_capacity,
        'coords': coords,
        'step': 10,
        'n_customers': 999,
        'Wq': Wq,
    }

def reference(psi_prime, current_node, capacity, used_capacity, coords, step, n_customers, Wq):
    Bl = psi_prime.shape[0]
    rows = jnp.arange(Bl)
    # gather current-node embedding: [B, D]
    psi_curr = psi_prime[rows, current_node]
    at_depot = (current_node == 0)[:, None]
    psi_curr = jnp.where(at_depot, jnp.zeros_like(psi_curr), psi_curr)
    # tensor capacity branch (capacity is float32[B])
    cap_norm = (capacity - used_capacity) / jnp.clip(capacity, 1e-08, None)
    t_frac = jnp.asarray(step, dtype=jnp.float32) / jnp.maximum(jnp.asarray(n_customers, dtype=jnp.float32), 1.0)
    t_norm = jnp.broadcast_to(t_frac, (Bl,)).astype(jnp.float32)
    # gather current coords: [B, 2]
    current_coords = coords[rows, current_node]
    ctx = jnp.concatenate([psi_curr, cap_norm[:, None], t_norm[:, None], current_coords], axis=1)
    # nn.Linear(context_dim, embed_dim, bias=False): ctx @ Wq.T
    query = ctx @ Wq.T
    return (query, current_coords)

if __name__ == "__main__":
    import jax
    _d = setup_inputs()
    print(jax.jit(kernel)(*tuple(_d.values())))

</pallas_src>

<mosaic_0001>
#map = affine_map<(d0, d1) -> (0)>
#map1 = affine_map<(d0, d1) -> (0, 0)>
module attributes {stable_mosaic.version = 14 : i64} {
  func.func @gather_kernel(%arg0: i32, %arg1: i32, %arg2: memref<1024xi32, #tpu.memory_space<hbm>>, %arg3: memref<1024xf32, #tpu.memory_space<hbm>>, %arg4: memref<1024xf32, #tpu.memory_space<hbm>>, %arg5: memref<1024000x128xf32, #tpu.memory_space<hbm>>, %arg6: memref<16000x128xf32, #tpu.memory_space<hbm>>, %arg7: memref<1024x128xf32, #tpu.memory_space<hbm>>, %arg8: memref<1024x4xf32, #tpu.memory_space<hbm>>, %arg9: memref<32xi32, #tpu.memory_space<vmem>>, %arg10: memref<64xi32, #tpu.memory_space<vmem>>, %arg11: memref<32xf32, #tpu.memory_space<vmem>>, %arg12: memref<32xf32, #tpu.memory_space<vmem>>, %arg13: memref<32x128xf32, #tpu.memory_space<vmem>>, %arg14: memref<64x128xf32, #tpu.memory_space<vmem>>, %arg15: memref<32x4xf32, #tpu.memory_space<vmem>>, %arg16: memref<!tpu.dma_semaphore, #tpu.memory_space<semaphore_mem>>, %arg17: memref<!tpu.dma_semaphore, #tpu.memory_space<semaphore_mem>>) attributes {dimension_semantics = [#tpu.dimension_semantics<core_parallel>, #tpu.dimension_semantics<subcore_parallel>], iteration_bounds = array<i64: 2, 16>, scalar_prefetch = 0 : i64, scratch_operands = 9 : i64, tpu.core_type = #tpu.core_type<sc_vector_subcore>, window_params = [{transform_indices = #map}, {transform_indices = #map}, {transform_indices = #map}, {transform_indices = #map1}, {transform_indices = #map1}, {transform_indices = #map1}, {transform_indices = #map1}]} {
    %mul3A = arith.constant 2 : i32
    %mul3A_0 = arith.muli %arg1, %mul3A : i32
    %add3A = arith.addi %mul3A_0, %arg0 : i32
    %mul3A_1 = arith.constant 32 : i32
    %mul3A_2 = arith.muli %add3A, %mul3A_1 : i32
    %shift_right_logical3A = arith.constant 7 : i32
    %shift_right_logical3A_3 = arith.shrui %mul3A_2, %shift_right_logical3A : i32
    %mul3A_4 = arith.constant 2 : i32
    %mul3A_5 = arith.muli %shift_right_logical3A_3, %mul3A_4 : i32
    %and3A = arith.constant 127 : i32
    %and3A_6 = arith.andi %mul3A_2, %and3A : i32
    %dma_start3A = tpu.memref_slice %arg2[%mul3A_2] : memref<1024xi32, #tpu.memory_space<hbm>> -> memref<32xi32, #tpu.memory_space<hbm>>
    %dma_start3A_7 = tpu.memref_slice %arg2[%mul3A_2] : memref<1024xi32, #tpu.memory_space<hbm>> -> memref<32xi32, #tpu.memory_space<hbm>>
    tpu.enqueue_dma source(%dma_start3A_7 : memref<32xi32, #tpu.memory_space<hbm>>) target(%arg9 : memref<32xi32, #tpu.memory_space<vmem>>) target_semaphore(%arg16 : memref<!tpu.dma_semaphore, #tpu.memory_space<semaphore_mem>>)
    %dma_start3A_8 = tpu.memref_slice %arg3[%mul3A_2] : memref<1024xf32, #tpu.memory_space<hbm>> -> memref<32xf32, #tpu.memory_space<hbm>>
    %dma_start3A_9 = tpu.memref_slice %arg3[%mul3A_2] : memref<1024xf32, #tpu.memory_space<hbm>> -> memref<32xf32, #tpu.memory_space<hbm>>
    tpu.enqueue_dma source(%dma_start3A_9 : memref<32xf32, #tpu.memory_space<hbm>>) target(%arg11 : memref<32xf32, #tpu.memory_space<vmem>>) target_semaphore(%arg16 : memref<!tpu.dma_semaphore, #tpu.memory_space<semaphore_mem>>)
    %dma_start3A_10 = tpu.memref_slice %arg4[%mul3A_2] : memref<1024xf32, #tpu.memory_space<hbm>> -> memref<32xf32, #tpu.memory_space<hbm>>
    %dma_start3A_11 = tpu.memref_slice %arg4[%mul3A_2] : memref<1024xf32, #tpu.memory_space<hbm>> -> memref<32xf32, #tpu.memory_space<hbm>>
    tpu.enqueue_dma source(%dma_start3A_11 : memref<32xf32, #tpu.memory_space<hbm>>) target(%arg12 : memref<32xf32, #tpu.memory_space<vmem>>) target_semaphore(%arg16 : memref<!tpu.dma_semaphore, #tpu.memory_space<semaphore_mem>>)
    %dma_wait3A = tpu.memref_slice %arg2[%mul3A_2] : memref<1024xi32, #tpu.memory_space<hbm>> -> memref<32xi32, #tpu.memory_space<hbm>>
    %dma_wait3A_12 = tpu.memref_slice %arg2[%mul3A_2] : memref<1024xi32, #tpu.memory_space<hbm>> -> memref<32xi32, #tpu.memory_space<hbm>>
    tpu.wait_dma2 semaphore(%arg16 : memref<!tpu.dma_semaphore, #tpu.memory_space<semaphore_mem>>) src(%dma_wait3A_12 : memref<32xi32, #tpu.memory_space<hbm>>) dst(%arg9 : memref<32xi32, #tpu.memory_space<vmem>>)
    %dma_wait3A_13 = tpu.memref_slice %arg3[%mul3A_2] : memref<1024xf32, #tpu.memory_space<hbm>> -> memref<32xf32, #tpu.memory_space<hbm>>
    %dma_wait3A_14 = tpu.memref_slice %arg3[%mul3A_2] : memref<1024xf32, #tpu.memory_space<hbm>> -> memref<32xf32, #tpu.memory_space<hbm>>
    tpu.wait_dma2 semaphore(%arg16 : memref<!tpu.dma_semaphore, #tpu.memory_space<semaphore_mem>>) src(%dma_wait3A_14 : memref<32xf32, #tpu.memory_space<hbm>>) dst(%arg11 : memref<32xf32, #tpu.memory_space<vmem>>)
    %dma_wait3A_15 = tpu.memref_slice %arg4[%mul3A_2] : memref<1024xf32, #tpu.memory_space<hbm>> -> memref<32xf32, #tpu.memory_space<hbm>>
    %dma_wait3A_16 = tpu.memref_slice %arg4[%mul3A_2] : memref<1024xf32, #tpu.memory_space<hbm>> -> memref<32xf32, #tpu.memory_space<hbm>>
    tpu.wait_dma2 semaphore(%arg16 : memref<!tpu.dma_semaphore, #tpu.memory_space<semaphore_mem>>) src(%dma_wait3A_16 : memref<32xf32, #tpu.memory_space<hbm>>) dst(%arg12 : memref<32xf32, #tpu.memory_space<vmem>>)
    %iota3A = tpu.iota {dimensions = array<i32: 0>} : vector<16xi32>
    %add3A_17 = arith.constant 0 : i32
    %add3A_18 = vector.broadcast %add3A_17 : i32 to vector<16xi32>
    %add3A_19 = arith.addi %add3A_18, %iota3A : vector<16xi32>
    %get3A = arith.constant 0 : index
    %get3A_20 = tpu.vector_load %arg9[%get3A] {strides = array<i32>} : memref<32xi32, #tpu.memory_space<vmem>>, vector<16xi32>,
    %mul3A_21 = arith.constant 16 : i32
    %mul3A_22 = vector.broadcast %mul3A_21 : i32 to vector<16xi32>
    %mul3A_23 = arith.muli %get3A_20, %mul3A_22 : vector<16xi32>
    %add3A_24 = vector.broadcast %mul3A_5 : i32 to vector<16xi32>
    %add3A_25 = arith.addi %mul3A_23, %add3A_24 : vector<16xi32>
    %swap3A = arith.constant 0 : index
    %swap3A_26 = tpu.vector_load %arg10[%swap3A] {strides = array<i32>} : memref<64xi32, #tpu.memory_space<vmem>>, vector<16xi32>,
    tpu.vector_store %arg10[%swap3A], %add3A_25 {strides = array<i32>} : memref<64xi32, #tpu.memory_space<vmem>>, vector<16xi32>,
    %add3A_27 = arith.constant 1 : i32
    %add3A_28 = vector.broadcast %add3A_27 : i32 to vector<16xi32>
    %add3A_29 = arith.addi %add3A_25, %add3A_28 : vector<16xi32>
    %swap3A_30 = arith.constant 32 : index
    %swap3A_31 = tpu.vector_load %arg10[%swap3A_30] {strides = array<i32>} : memref<64xi32, #tpu.memory_space<vmem>>, vector<16xi32>,
    tpu.vector_store %arg10[%swap3A_30], %add3A_29 {strides = array<i32>} : memref<64xi32, #tpu.memory_space<vmem>>, vector<16xi32>,
    %add3A_32 = vector.broadcast %mul3A_2 : i32 to vector<16xi32>
    %add3A_33 = arith.addi %add3A_32, %add3A_19 : vector<16xi32>
    %mul3A_34 = arith.constant 1000 : i32
    %mul3A_35 = vector.broadcast %mul3A_34 : i32 to vector<16xi32>
    %mul3A_36 = arith.muli %add3A_33, %mul3A_35 : vector<16xi32>
    %add3A_37 = arith.addi %mul3A_36, %get3A_20 : vector<16xi32>
    %swap3A_38 = arith.constant 0 : index
    %swap3A_39 = tpu.vector_load %arg9[%swap3A_38] {strides = array<i32>} : memref<32xi32, #tpu.memory_space<vmem>>, vector<16xi32>,
    tpu.vector_store %arg9[%swap3A_38], %add3A_37 {strides = array<i32>} : memref<32xi32, #tpu.memory_space<vmem>>, vector<16xi32>,
    %get3A_40 = arith.constant 0 : index
    %get3A_41 = tpu.vector_load %arg11[%get3A_40] {strides = array<i32>} : memref<32xf32, #tpu.memory_space<vmem>>, vector<16xf32>,
    %get3A_42 = arith.constant 0 : index
    %get3A_43 = tpu.vector_load %arg12[%get3A_42] {strides = array<i32>} : memref<32xf32, #tpu.memory_space<vmem>>, vector<16xf32>,
    %sub3A = arith.subf %get3A_41, %get3A_43 : vector<16xf32>
    %max3A = arith.constant 9.99999993E-9 : f32
    %max3A_44 = vector.broadcast %max3A : f32 to vector<16xf32>
    %max3A_45 = arith.maximumf %get3A_41, %max3A_44 : vector<16xf32>
    %div3A = arith.divf %sub3A, %max3A_45 : vector<16xf32>
    %ne3A = arith.constant 0 : i32
    %ne3A_46 = vector.broadcast %ne3A : i32 to vector<16xi32>
    %ne3A_47 = arith.cmpi ne, %get3A_20, %ne3A_46 : vector<16xi32>
    %jit3A = arith.constant 1.000000e+00 : f32
    %jit3A_48 = arith.constant 0.000000e+00 : f32
    %broadcast_in_dim3A = vector.broadcast %jit3A : f32 to vector<16xf32>
    %broadcast_in_dim3A_49 = vector.broadcast %jit3A_48 : f32 to vector<16xf32>
    %select_n3A = arith.select %ne3A_47, %broadcast_in_dim3A, %broadcast_in_dim3A_49 : vector<16xi1>, vector<16xf32>
    %broadcast_in_dim3A_50 = arith.constant 0 : i32
    %broadcast_in_dim3A_51 = vector.broadcast %broadcast_in_dim3A_50 : i32 to vector<16xi32>
    tpu.vector_store_idx %arg15[%add3A_19, %broadcast_in_dim3A_51], %div3A : memref<32x4xf32, #tpu.memory_space<vmem>>[vector<16xi32>, vector<16xi32>], vector<16xf32>,
    %broadcast_in_dim3A_52 = arith.constant 1 : i32
    %broadcast_in_dim3A_53 = vector.broadcast %broadcast_in_dim3A_52 : i32 to vector<16xi32>
    tpu.vector_store_idx %arg15[%add3A_19, %broadcast_in_dim3A_53], %select_n3A : memref<32x4xf32, #tpu.memory_space<vmem>>[vector<16xi32>, vector<16xi32>], vector<16xf32>,
    %iota3A_54 = tpu.iota {dimensions = array<i32: 0>} : vector<16xi32>
    %add3A_55 = arith.constant 16 : i32
    %add3A_56 = vector.broadcast %add3A_55 : i32 to vector<16xi32>
    %add3A_57 = arith.addi %add3A_56, %iota3A_54 : vector<16xi32>
    %get3A_58 = arith.constant 16 : index
    %get3A_59 = tpu.vector_load %arg9[%get3A_58] {strides = array<i32>} : memref<32xi32, #tpu.memory_space<vmem>>, vector<16xi32>,
    %mul3A_60 = arith.constant 16 : i32
    %mul3A_61 = vector.broadcast %mul3A_60 : i32 to vector<16xi32>
    %mul3A_62 = arith.muli %get3A_59, %mul3A_61 : vector<16xi32>
    %add3A_63 = vector.broadcast %mul3A_5 : i32 to vector<16xi32>
    %add3A_64 = arith.addi %mul3A_62, %add3A_63 : vector<16xi32>
    %swap3A_65 = arith.constant 16 : index
    %swap3A_66 = tpu.vector_load %arg10[%swap3A_65] {strides = array<i32>} : memref<64xi32, #tpu.memory_space<vmem>>, vector<16xi32>,
    tpu.vector_store %arg10[%swap3A_65], %add3A_64 {strides = array<i32>} : memref<64xi32, #tpu.memory_space<vmem>>, vector<16xi32>,
    %add3A_67 = arith.constant 1 : i32
    %add3A_68 = vector.broadcast %add3A_67 : i32 to vector<16xi32>
    %add3A_69 = arith.addi %add3A_64, %add3A_68 : vector<16xi32>
    %swap3A_70 = arith.constant 48 : index
    %swap3A_71 = tpu.vector_load %arg10[%swap3A_70] {strides = array<i32>} : memref<64xi32, #tpu.memory_space<vmem>>, vector<16xi32>,
    tpu.vector_store %arg10[%swap3A_70], %add3A_69 {strides = array<i32>} : memref<64xi32, #tpu.memory_space<vmem>>, vector<16xi32>,
    %add3A_72 = vector.broadcast %mul3A_2 : i32 to vector<16xi32>
    %add3A_73 = arith.addi %add3A_72, %add3A_57 : vector<16xi32>
    %mul3A_74 = arith.constant 1000 : i32
    %mul3A_75 = vector.broadcast %mul3A_74 : i32 to vector<16xi32>
    %mul3A_76 = arith.muli %add3A_73, %mul3A_75 : vector<16xi32>
    %add3A_77 = arith.addi %mul3A_76, %get3A_59 : vector<16xi32>
    %swap3A_78 = arith.constant 16 : index
    %swap3A_79 = tpu.vector_load %arg9[%swap3A_78] {strides = array<i32>} : memref<32xi32, #tpu.memory_space<vmem>>, vector<16xi32>,
    tpu.vector_store %arg9[%swap3A_78], %add3A_77 {strides = array<i32>} : memref<32xi32, #tpu.memory_space<vmem>>, vector<16xi32>,
    %get3A_80 = arith.constant 16 : index
    %get3A_81 = tpu.vector_load %arg11[%get3A_80] {strides = array<i32>} : memref<32xf32, #tpu.memory_space<vmem>>, vector<16xf32>,
    %get3A_82 = arith.constant 16 : index
    %get3A_83 = tpu.vector_load %arg12[%get3A_82] {strides = array<i32>} : memref<32xf32, #tpu.memory_space<vmem>>, vector<16xf32>,
    %sub3A_84 = arith.subf %get3A_81, %get3A_83 : vector<16xf32>
    %max3A_85 = arith.constant 9.99999993E-9 : f32
    %max3A_86 = vector.broadcast %max3A_85 : f32 to vector<16xf32>
    %max3A_87 = arith.maximumf %get3A_81, %max3A_86 : vector<16xf32>
    %div3A_88 = arith.divf %sub3A_84, %max3A_87 : vector<16xf32>
    %ne3A_89 = arith.constant 0 : i32
    %ne3A_90 = vector.broadcast %ne3A_89 : i32 to vector<16xi32>
    %ne3A_91 = arith.cmpi ne, %get3A_59, %ne3A_90 : vector<16xi32>
    %jit3A_92 = arith.constant 1.000000e+00 : f32
    %jit3A_93 = arith.constant 0.000000e+00 : f32
    %broadcast_in_dim3A_94 = vector.broadcast %jit3A_92 : f32 to vector<16xf32>
    %broadcast_in_dim3A_95 = vector.broadcast %jit3A_93 : f32 to vector<16xf32>
    %select_n3A_96 = arith.select %ne3A_91, %broadcast_in_dim3A_94, %broadcast_in_dim3A_95 : vector<16xi1>, vector<16xf32>
    %broadcast_in_dim3A_97 = arith.constant 0 : i32
    %broadcast_in_dim3A_98 = vector.broadcast %broadcast_in_dim3A_97 : i32 to vector<16xi32>
    tpu.vector_store_idx %arg15[%add3A_57, %broadcast_in_dim3A_98], %div3A_88 : memref<32x4xf32, #tpu.memory_space<vmem>>[vector<16xi32>, vector<16xi32>], vector<16xf32>,
    %broadcast_in_dim3A_99 = arith.constant 1 : i32
    %broadcast_in_dim3A_100 = vector.broadcast %broadcast_in_dim3A_99 : i32 to vector<16xi32>
    tpu.vector_store_idx %arg15[%add3A_57, %broadcast_in_dim3A_100], %select_n3A_96 : memref<32x4xf32, #tpu.memory_space<vmem>>[vector<16xi32>, vector<16xi32>], vector<16xf32>,
    %dma_start3A_101 = arith.constant 0 : i32
    %dma_start3A_102 = arith.constant 0 : i32
    %dma_start3A_103 = tpu.memref_slice %arg5[%dma_start3A_101, %dma_start3A_102] : memref<1024000x128xf32, #tpu.memory_space<hbm>> -> memref<1024000x128xf32, #tpu.memory_space<hbm>>
    tpu.enqueue_indirect_dma source(%dma_start3A_103 : memref<1024000x128xf32, #tpu.memory_space<hbm>>) target(%arg13 : memref<32x128xf32, #tpu.memory_space<vmem>>) offsets(%arg9 : memref<32xi32, #tpu.memory_space<vmem>>) semaphore(%arg16 : memref<!tpu.dma_semaphore, #tpu.memory_space<semaphore_mem>>)
    %dma_start3A_104 = arith.constant 0 : i32
    %dma_start3A_105 = arith.constant 0 : i32
    %dma_start3A_106 = tpu.memref_slice %arg6[%dma_start3A_104, %dma_start3A_105] : memref<16000x128xf32, #tpu.memory_space<hbm>> -> memref<16000x128xf32, #tpu.memory_space<hbm>>
    tpu.enqueue_indirect_dma source(%dma_start3A_106 : memref<16000x128xf32, #tpu.memory_space<hbm>>) target(%arg14 : memref<64x128xf32, #tpu.memory_space<vmem>>) offsets(%arg10 : memref<64xi32, #tpu.memory_space<vmem>>) semaphore(%arg17 : memref<!tpu.dma_semaphore, #tpu.memory_space<semaphore_mem>>)
    %dma_wait3A_107 = arith.constant 0 : i32
    %dma_wait3A_108 = arith.constant 0 : i32
    %dma_wait3A_109 = tpu.memref_slice %arg6[%dma_wait3A_107, %dma_wait3A_108] : memref<16000x128xf32, #tpu.memory_space<hbm>> -> memref<16000x128xf32, #tpu.memory_space<hbm>>
    tpu.wait_indirect_dma semaphore(%arg17 : memref<!tpu.dma_semaphore, #tpu.memory_space<semaphore_mem>>) src(%dma_wait3A_109 : memref<16000x128xf32, #tpu.memory_space<hbm>>) dst(%arg14 : memref<64x128xf32, #tpu.memory_space<vmem>>)
    %iota3A_110 = tpu.iota {dimensions = array<i32: 0>} : vector<16xi32>
    %add3A_111 = arith.constant 0 : i32
    %add3A_112 = vector.broadcast %add3A_111 : i32 to vector<16xi32>
    %add3A_113 = arith.addi %add3A_112, %iota3A_110 : vector<16xi32>
    %add3A_114 = arith.constant 0 : i32
    %add3A_115 = vector.broadcast %add3A_114 : i32 to vector<16xi32>
    %add3A_116 = arith.addi %add3A_115, %add3A_113 : vector<16xi32>
    %add3A_117 = vector.broadcast %and3A_6 : i32 to vector<16xi32>
    %add3A_118 = arith.addi %add3A_117, %add3A_113 : vector<16xi32>
    %gather3A = tpu.vector_load_idx %arg14[%add3A_116, %add3A_118] : memref<64x128xf32, #tpu.memory_space<vmem>>[vector<16xi32>, vector<16xi32>], vector<16xf32>,
    %broadcast_in_dim3A_119 = arith.constant 2 : i32
    %broadcast_in_dim3A_120 = vector.broadcast %broadcast_in_dim3A_119 : i32 to vector<16xi32>
    tpu.vector_store_idx %arg15[%add3A_113, %broadcast_in_dim3A_120], %gather3A : memref<32x4xf32, #tpu.memory_space<vmem>>[vector<16xi32>, vector<16xi32>], vector<16xf32>,
    %iota3A_121 = tpu.iota {dimensions = array<i32: 0>} : vector<16xi32>
    %add3A_122 = arith.constant 16 : i32
    %add3A_123 = vector.broadcast %add3A_122 : i32 to vector<16xi32>
    %add3A_124 = arith.addi %add3A_123, %iota3A_121 : vector<16xi32>
    %add3A_125 = arith.constant 0 : i32
    %add3A_126 = vector.broadcast %add3A_125 : i32 to vector<16xi32>
    %add3A_127 = arith.addi %add3A_126, %add3A_124 : vector<16xi32>
    %add3A_128 = vector.broadcast %and3A_6 : i32 to vector<16xi32>
    %add3A_129 = arith.addi %add3A_128, %add3A_124 : vector<16xi32>
    %gather3A_130 = tpu.vector_load_idx %arg14[%add3A_127, %add3A_129] : memref<64x128xf32, #tpu.memory_space<vmem>>[vector<16xi32>, vector<16xi32>], vector<16xf32>,
    %broadcast_in_dim3A_131 = arith.constant 2 : i32
    %broadcast_in_dim3A_132 = vector.broadcast %broadcast_in_dim3A_131 : i32 to vector<16xi32>
    tpu.vector_store_idx %arg15[%add3A_124, %broadcast_in_dim3A_132], %gather3A_130 : memref<32x4xf32, #tpu.memory_space<vmem>>[vector<16xi32>, vector<16xi32>], vector<16xf32>,
    %iota3A_133 = tpu.iota {dimensions = array<i32: 0>} : vector<16xi32>
    %add3A_134 = arith.constant 0 : i32
    %add3A_135 = vector.broadcast %add3A_134 : i32 to vector<16xi32>
    %add3A_136 = arith.addi %add3A_135, %iota3A_133 : vector<16xi32>
    %add3A_137 = arith.constant 32 : i32
    %add3A_138 = vector.broadcast %add3A_137 : i32 to vector<16xi32>
    %add3A_139 = arith.addi %add3A_138, %add3A_136 : vector<16xi32>
    %add3A_140 = vector.broadcast %and3A_6 : i32 to vector<16xi32>
    %add3A_141 = arith.addi %add3A_140, %add3A_136 : vector<16xi32>
    %gather3A_142 = tpu.vector_load_idx %arg14[%add3A_139, %add3A_141] : memref<64x128xf32, #tpu.memory_space<vmem>>[vector<16xi32>, vector<16xi32>], vector<16xf32>,
    %broadcast_in_dim3A_143 = arith.constant 3 : i32
    %broadcast_in_dim3A_144 = vector.broadcast %broadcast_in_dim3A_143 : i32 to vector<16xi32>
    tpu.vector_store_idx %arg15[%add3A_136, %broadcast_in_dim3A_144], %gather3A_142 : memref<32x4xf32, #tpu.memory_space<vmem>>[vector<16xi32>, vector<16xi32>], vector<16xf32>,
    %iota3A_145 = tpu.iota {dimensions = array<i32: 0>} : vector<16xi32>
    %add3A_146 = arith.constant 16 : i32
    %add3A_147 = vector.broadcast %add3A_146 : i32 to vector<16xi32>
    %add3A_148 = arith.addi %add3A_147, %iota3A_145 : vector<16xi32>
    %add3A_149 = arith.constant 32 : i32
    %add3A_150 = vector.broadcast %add3A_149 : i32 to vector<16xi32>
    %add3A_151 = arith.addi %add3A_150, %add3A_148 : vector<16xi32>
    %add3A_152 = vector.broadcast %and3A_6 : i32 to vector<16xi32>
    %add3A_153 = arith.addi %add3A_152, %add3A_148 : vector<16xi32>
    %gather3A_154 = tpu.vector_load_idx %arg14[%add3A_151, %add3A_153] : memref<64x128xf32, #tpu.memory_space<vmem>>[vector<16xi32>, vector<16xi32>], vector<16xf32>,
    %broadcast_in_dim3A_155 = arith.constant 3 : i32
    %broadcast_in_dim3A_156 = vector.broadcast %broadcast_in_dim3A_155 : i32 to vector<16xi32>
    tpu.vector_store_idx %arg15[%add3A_148, %broadcast_in_dim3A_156], %gather3A_154 : memref<32x4xf32, #tpu.memory_space<vmem>>[vector<16xi32>, vector<16xi32>], vector<16xf32>,
    "tpu.region"() ({
      %run_scoped3A = tpu.sem_alloc : memref<!tpu.dma_semaphore, #tpu.memory_space<semaphore_mem>>
      %dma_start3A_160 = arith.constant 0 : i32
      %dma_start3A_161 = tpu.memref_slice %arg8[%mul3A_2, %dma_start3A_160] : memref<1024x4xf32, #tpu.memory_space<hbm>> -> memref<32x4xf32, #tpu.memory_space<hbm>>
      %dma_start3A_162 = arith.constant 0 : i32
      %dma_start3A_163 = tpu.memref_slice %arg8[%mul3A_2, %dma_start3A_162] : memref<1024x4xf32, #tpu.memory_space<hbm>> -> memref<32x4xf32, #tpu.memory_space<hbm>>
      tpu.enqueue_dma source(%arg15 : memref<32x4xf32, #tpu.memory_space<vmem>>) target(%dma_start3A_163 : memref<32x4xf32, #tpu.memory_space<hbm>>) target_semaphore(%run_scoped3A : memref<!tpu.dma_semaphore, #tpu.memory_space<semaphore_mem>>)
      %dma_wait3A_164 = arith.constant 0 : i32
      %dma_wait3A_165 = tpu.memref_slice %arg8[%mul3A_2, %dma_wait3A_164] : memref<1024x4xf32, #tpu.memory_space<hbm>> -> memref<32x4xf32, #tpu.memory_space<hbm>>
      %dma_wait3A_166 = arith.constant 0 : i32
      %dma_wait3A_167 = tpu.memref_slice %arg8[%mul3A_2, %dma_wait3A_166] : memref<1024x4xf32, #tpu.memory_space<hbm>> -> memref<32x4xf32, #tpu.memory_space<hbm>>
      tpu.wait_dma2 semaphore(%run_scoped3A : memref<!tpu.dma_semaphore, #tpu.memory_space<semaphore_mem>>) src(%arg15 : memref<32x4xf32, #tpu.memory_space<vmem>>) dst(%dma_wait3A_167 : memref<32x4xf32, #tpu.memory_space<hbm>>)
      tpu.yield
    }) : () -> ()
    %dma_wait3A_157 = arith.constant 0 : i32
    %dma_wait3A_158 = arith.constant 0 : i32
    %dma_wait3A_159 = tpu.memref_slice %arg5[%dma_wait3A_157, %dma_wait3A_158] : memref<1024000x128xf32, #tpu.memory_space<hbm>> -> memref<1024000x128xf32, #tpu.memory_space<hbm>>
    tpu.wait_indirect_dma semaphore(%arg16 : memref<!tpu.dma_semaphore, #tpu.memory_space<semaphore_mem>>) src(%dma_wait3A_159 : memref<1024000x128xf32, #tpu.memory_space<hbm>>) dst(%arg13 : memref<32x128xf32, #tpu.memory_space<vmem>>)
    "tpu.region"() ({
      %run_scoped3A = tpu.sem_alloc : memref<!tpu.dma_semaphore, #tpu.memory_space<semaphore_mem>>
      %dma_start3A_160 = arith.constant 0 : i32
      %dma_start3A_161 = tpu.memref_slice %arg7[%mul3A_2, %dma_start3A_160] : memref<1024x128xf32, #tpu.memory_space<hbm>> -> memref<32x128xf32, #tpu.memory_space<hbm>>
      %dma_start3A_162 = arith.constant 0 : i32
      %dma_start3A_163 = tpu.memref_slice %arg7[%mul3A_2, %dma_start3A_162] : memref<1024x128xf32, #tpu.memory_space<hbm>> -> memref<32x128xf32, #tpu.memory_space<hbm>>
      tpu.enqueue_dma source(%arg13 : memref<32x128xf32, #tpu.memory_space<vmem>>) target(%dma_start3A_163 : memref<32x128xf32, #tpu.memory_space<hbm>>) target_semaphore(%run_scoped3A : memref<!tpu.dma_semaphore, #tpu.memory_space<semaphore_mem>>)
      %dma_wait3A_164 = arith.constant 0 : i32
      %dma_wait3A_165 = tpu.memref_slice %arg7[%mul3A_2, %dma_wait3A_164] : memref<1024x128xf32, #tpu.memory_space<hbm>> -> memref<32x128xf32, #tpu.memory_space<hbm>>
      %dma_wait3A_166 = arith.constant 0 : i32
      %dma_wait3A_167 = tpu.memref_slice %arg7[%mul3A_2, %dma_wait3A_166] : memref<1024x128xf32, #tpu.memory_space<hbm>> -> memref<32x128xf32, #tpu.memory_space<hbm>>
      tpu.wait_dma2 semaphore(%run_scoped3A : memref<!tpu.dma_semaphore, #tpu.memory_space<semaphore_mem>>) src(%arg13 : memref<32x128xf32, #tpu.memory_space<vmem>>) dst(%dma_wait3A_167 : memref<32x128xf32, #tpu.memory_space<hbm>>)
      tpu.yield
    }) : () -> ()
    return
  }
}

module attributes {stable_mosaic.version = 14 : i64} {
  func.func @_tc_project_body(%arg0: memref<1024x128xf32, #tpu.memory_space<vmem>>, %arg1: memref<1024x4xf32, #tpu.memory_space<vmem>>, %arg2: memref<1x1xf32, #tpu.memory_space<smem>>, %arg3: memref<132x128xf32, #tpu.memory_space<vmem>>, %arg4: memref<1024x128xf32, #tpu.memory_space<vmem>>, %arg5: memref<16x128xf32, #tpu.memory_space<vmem>>) attributes {dimension_semantics = [], scalar_prefetch = 0 : i64, scratch_operands = 0 : i64, tpu.core_type = #tpu.core_type<tc>} {
    %get3A = arith.constant 0 : index
    %get3A_0 = arith.constant 0 : index
    %get3A_1 = vector.load %arg1[%get3A, %get3A_0] : memref<1024x4xf32, #tpu.memory_space<vmem>>, vector<1024x4xf32>
    %get3A_2 = arith.constant 0 : index
    %get3A_3 = arith.constant 0 : index
    %get3A_4 = vector.load %arg0[%get3A_2, %get3A_3] : memref<1024x128xf32, #tpu.memory_space<vmem>>, vector<1024x128xf32>
    %slice3A = vector.extract_strided_slice %get3A_1 {offsets = [0, 1], sizes = [1024, 1], strides = [1, 1]} : vector<1024x4xf32> to vector<1024x1xf32>
    %mul3A = vector.broadcast %slice3A : vector<1024x1xf32> to vector<1024x128xf32>
    %mul3A_5 = arith.mulf %get3A_4, %mul3A : vector<1024x128xf32>
    %get3A_6 = arith.constant 0 : index
    %get3A_7 = arith.constant 0 : index
    %get3A_8 = vector.load %arg3[%get3A_6, %get3A_7] : memref<132x128xf32, #tpu.memory_space<vmem>>, vector<128x128xf32>
    %dot_general3A = arith.constant dense<0.000000e+00> : vector<1024x128xf32>
    %dot_general3A_9 = tpu.matmul %mul3A_5, %get3A_8, %dot_general3A {dimension_numbers = #tpu.dot_dimension_numbers<[1], [0], [0], [1], [0, 0, 1, 1], [], []>, transpose_lhs_hint = false} : vector<1024x128xf32>, vector<128x128xf32>, vector<1024x128xf32> -> vector<1024x128xf32>
    %get3A_10 = arith.constant 0 : index
    %get3A_11 = arith.constant 0 : index
    %get3A_12 = memref.load %arg2[%get3A_10, %get3A_11] : memref<1x1xf32, #tpu.memory_space<smem>>
    %broadcast_in_dim3A = vector.broadcast %get3A_12 : f32 to vector<1024x1xf32>
    %slice3A_13 = vector.extract_strided_slice %get3A_1 {offsets = [0, 0], sizes = [1024, 1], strides = [1, 1]} : vector<1024x4xf32> to vector<1024x1xf32>
    %slice3A_14 = vector.extract_strided_slice %get3A_1 {offsets = [0, 2], sizes = [1024, 2], strides = [1, 1]} : vector<1024x4xf32> to vector<1024x2xf32>
    %concatenate3A = tpu.concatenate %slice3A_13, %broadcast_in_dim3A, %slice3A_14 in 1 : vector<1024x1xf32>, vector<1024x1xf32>, vector<1024x2xf32> -> vector<1024x4xf32>
    %get3A_15 = arith.constant 128 : index
    %get3A_16 = arith.constant 0 : index
    %get3A_17 = vector.load %arg3[%get3A_15, %get3A_16] : memref<132x128xf32, #tpu.memory_space<vmem>>, vector<4x128xf32>
    %dot_general3A_18 = arith.constant dense<0.000000e+00> : vector<1024x128xf32>
    %dot_general3A_19 = tpu.matmul %concatenate3A, %get3A_17, %dot_general3A_18 {dimension_numbers = #tpu.dot_dimension_numbers<[1], [0], [0], [1], [0, 0, 1, 1], [], []>, transpose_lhs_hint = false} : vector<1024x4xf32>, vector<4x128xf32>, vector<1024x128xf32> -> vector<1024x128xf32>
    %add3A = arith.addf %dot_general3A_9, %dot_general3A_19 : vector<1024x128xf32>
    %swap3A = arith.constant 0 : index
    %swap3A_20 = arith.constant 0 : index
    %swap3A_21 = vector.load %arg4[%swap3A, %swap3A_20] : memref<1024x128xf32, #tpu.memory_space<vmem>>, vector<1024x128xf32>
    tpu.vector_store %arg4[%swap3A, %swap3A_20], %add3A {strides = array<i32>} : memref<1024x128xf32, #tpu.memory_space<vmem>>, vector<1024x128xf32>,
    %slice3A_22 = vector.extract_strided_slice %get3A_1 {offsets = [0, 2], sizes = [1024, 2], strides = [1, 1]} : vector<1024x4xf32> to vector<1024x2xf32>
    %reshape3A = vector.shape_cast %slice3A_22 : vector<1024x2xf32> to vector<8x128x2xf32>
    %transpose3A = tpu.transpose %reshape3A, [0, 2, 1] : vector<8x128x2xf32> -> vector<8x2x128xf32>
    %reshape3A_23 = vector.shape_cast %transpose3A : vector<8x2x128xf32> to vector<16x128xf32>
    %swap3A_24 = arith.constant 0 : index
    %swap3A_25 = arith.constant 0 : index
    %swap3A_26 = vector.load %arg5[%swap3A_24, %swap3A_25] : memref<16x128xf32, #tpu.memory_space<vmem>>, vector<16x128xf32>
    tpu.vector_store %arg5[%swap3A_24, %swap3A_25], %reshape3A_23 {strides = array<i32>} : memref<16x128xf32, #tpu.memory_space<vmem>>, vector<16x128xf32>,
    return
  }
}

</mosaic_0001>

<sc_bundles>
// kernel: kernel.4.cloned.1.call-start
scs
__scs_entry_jumppad:
0x0: {  	(pc) =	sbr.rel $0x88, $3  }
0x1: {  	(tag) =	ssettag $0x0;
	lr =	simm.s32 $0x1  }
0x2: {  	[smem:$0x3F99] =	sst lr;
	_ =	strace $0xD0000000  }
0x3: {  	_ = 	snop  }
0x4: {  	_ = 	snop  }
0x5: {  	_ = 	snop  }
0x6: {  	_ = 	snop  }
0x7: {  	_ = 	snop  }
__scs_overlays_trampoline_lowered:
0x8: {  	[smem:$0x3FA8] =	sst s0  }
0x9: {  	[smem:$0x3FA9] =	sst s1  }
0xa: {  	[smem:$0x3FAA] =	sst s2  }
0xb: {  	[smem:$0x3FAB] =	sst s3  }
0xc: {  	[smem:$0x3FAC] =	sst s4  }
0xd: {  	[smem:$0x3FAD] =	sst s5  }
0xe: {  	[smem:$0x3FAE] =	sst s6  }
0xf: {  	[smem:$0x3FAF] =	sst s7  }
0x10: {  	[smem:$0x3FB0] =	sst s8  }
0x11: {  	[smem:$0x3FB1] =	sst s9;
	s0 =	simm.s32 @!p0 $0x0  }
0x12: {  	s1 =	sld [smem:$0x3F97];
	s0 =	simm.s32 @p0 $0x1  }
0x13: {  	[smem:$0x3FB2] =	sst s0;
	s0 =	simm.s32 @!p1 $0x0  }
0x14: {  	s2 =	sld [smem:$0x3F96];
	s0 =	simm.s32 @p1 $0x1  }
0x15: {  	[smem:$0x3FB3] =	sst s0;
	s0 =	simm.s32 @!p2 $0x0  }
0x16: {  	s3 =	sld [smem:$0x3FDB];
	s0 =	simm.s32 @p2 $0x1  }
0x17: {  	s4 =	simm.s32 $0x1BF5;
	[smem:$0x3FB5] =	sst s0  }
0x18: {  	s0 =	sld [smem:$0x3F98];
	_ =	swait.ge [sflag:s4], $0x0  }
0x19: {  	s7 =	sld [smem:$0x3F99]  }
0x1a: {  	s8 =	sadd.s32 $0xFFFFE003, lr  }
0x1b: {  	s9 =	sadd.s32 $0xFFFFFEF7, lr;
	s5 =	simm.s32 $0xFFFFFFFF;
	p2 =	slt.u32 s8, $0xFFFFF086  }
0x1c: {  	p1 =	slt.u32 s9, $0xF7A;
	s5 =	simm.s32 @!p2 $0x0  }
0x1d: {  	s5 =	simm.s32 @p1 $0x1;
	p0 =	seq.s32 s7, s2  }
0x1e: {  	s7 =	smul.u32 @!p0 $0xF7A, s2;
	p2 =	seq.s32 @!p0 s5, $0x0  }
0x1f: {  	s9 =	smul.u32 $0xF7A, s1;
	s8 =	simm.s32 @!p0 $0x1BF5;
	p2 =	por !p2, p0  }
0x20: {  	[sflag:s8] =	ssyncset.s32 @!p0 $0xFFFFF086;
	s6 =	sadd.s32 @!p0 s3, s7;
	s7 =	simm.s32 @!p0 $0x108  }
0x21: {  	s3 =	sadd.s32 s3, s9;
	s6 =	sadd.s32 @!p0 $0x88, s6;
	s7 =	simm.s32 @p2 $0x1082  }
0x22: {  	[simem:s7], [sflag:s8] =	dma.local @!p0 [hbm:s6], $0xF7A  }
0x23: {  	s9 =	sor.u32 $0xD0000000, s2;
	s6 =	simm.s32 $0x108;
	_ =	swait.ge @!p0 [sflag:s8], $0x0  }
0x24: {  	s3 =	sadd.s32 $0x88, s3;
	s6 =	simm.s32 @!p1 $0x1082;
	[sflag:s4] =	ssyncset.s32 $0xFFFFF086  }
0x25: {  	[simem:s6], [sflag:s4] =	dma.local [hbm:s3], $0xF7A  }
0x26: {  	[smem:$0x3F99] =	sst s1;
	(tag) =	ssettag s2;
	_ =	strace s9  }
0x27: {  	s1 =	sld [smem:$0x3FA9]  }
0x28: {  	s2 =	sld [smem:$0x3FAA]  }
0x29: {  	s4 =	sld [smem:$0x3FAC]  }
0x2a: {  	p0 =	seq.s32 s5, $0x0;
	s5 =	sld [smem:$0x3FAD]  }
0x2b: {  	s6 =	sld [smem:$0x3FAE]  }
0x2c: {  	s7 =	sld [smem:$0x3FAF]  }
0x2d: {  	s3 =	simm.s32 $0x108;
	s8 =	sld [smem:$0x3FB0]  }
0x2e: {  	s3 =	simm.s32 @!p0 $0x1082;
	s9 =	sld [smem:$0x3FB1]  }
0x2f: {  	lr =	sadd.s32 s0, s3;
	s0 =	sld [smem:$0x3FA8]  }
0x30: {  	s3 =	sld [smem:$0x3FAB]  }
0x31: {  	[smem:$0x3FB4] =	sst s10  }
0x32: {  	s10 =	sld [smem:$0x3FB2];
	_ =	sdelay $0x3  }
0x33: {  	p0 =	seq.s32 s10, $0x1;
	s10 =	sld [smem:$0x3FB4];
	_ =	sdelay $0x3  }
0x34: {  	[smem:$0x3FB4] =	sst s10  }
0x35: {  	s10 =	sld [smem:$0x3FB3];
	_ =	sdelay $0x3  }
0x36: {  	p1 =	seq.s32 s10, $0x1;
	s10 =	sld [smem:$0x3FB4];
	_ =	sdelay $0x3  }
0x37: {  	[smem:$0x3FB4] =	sst s10  }
0x38: {  	s10 =	sld [smem:$0x3FB5]  }
0x39: {  	_ = 	snop;
	(pc) =	sbr.ind lr, $3  }
0x3a: {  	_ = 	snop  }
0x3b: {  	_ = 	snop  }
0x3c: {  	p2 =	seq.s32 s10, $0x1;
	s10 =	sld [smem:$0x3FB4]  }
0x3d: {  	_ =	shalt  }
0x3e: {  	_ =	shalt  }
0x3f: {  	_ =	shalt  }
0x40: {  	_ =	shalt  }
0x41: {  	_ =	shalt  }
0x42: {  	_ =	shalt  }
0x43: {  	_ =	shalt  }
0x44: {  	_ =	shalt  }
0x45: {  	_ =	shalt  }
0x46: {  	_ =	shalt  }
0x47: {  	_ =	shalt  }
0x48: {  	_ =	shalt  }
0x49: {  	_ =	shalt  }
0x4a: {  	_ =	shalt  }
0x4b: {  	_ =	shalt  }
0x4c: {  	_ =	shalt  }
0x4d: {  	_ =	shalt  }
0x4e: {  	_ =	shalt  }
0x4f: {  	_ =	shalt  }
0x50: {  	_ =	shalt  }
0x51: {  	_ =	shalt  }
0x52: {  	_ =	shalt  }
0x53: {  	_ =	shalt  }
0x54: {  	_ =	shalt  }
0x55: {  	_ =	shalt  }
0x56: {  	_ =	shalt  }
0x57: {  	_ =	shalt  }
0x58: {  	_ =	shalt  }
0x59: {  	_ =	shalt  }
0x5a: {  	_ =	shalt  }
0x5b: {  	_ =	shalt  }
0x5c: {  	_ =	shalt  }
0x5d: {  	_ =	shalt  }
0x5e: {  	_ =	shalt  }
0x5f: {  	_ =	shalt  }
0x60: {  	_ =	shalt  }
0x61: {  	_ =	shalt  }
0x62: {  	_ =	shalt  }
0x63: {  	_ =	shalt  }
0x64: {  	_ =	shalt  }
0x65: {  	_ =	shalt  }
0x66: {  	_ =	shalt  }
0x67: {  	_ =	shalt  }
0x68: {  	_ =	shalt  }
0x69: {  	_ =	shalt  }
0x6a: {  	_ =	shalt  }
0x6b: {  	_ =	shalt  }
0x6c: {  	_ =	shalt  }
0x6d: {  	_ =	shalt  }
0x6e: {  	_ =	shalt  }
0x6f: {  	_ =	shalt  }
0x70: {  	_ =	shalt  }
0x71: {  	_ =	shalt  }
0x72: {  	_ =	shalt  }
0x73: {  	_ =	shalt  }
0x74: {  	_ =	shalt  }
0x75: {  	_ =	shalt  }
0x76: {  	_ =	shalt  }
0x77: {  	_ =	shalt  }
0x78: {  	_ =	shalt  }
0x79: {  	_ =	shalt  }
0x7a: {  	_ =	shalt  }
0x7b: {  	_ =	shalt  }
0x7c: {  	_ =	shalt  }
0x7d: {  	_ =	shalt  }
0x7e: {  	_ =	shalt  }
0x7f: {  	_ =	shalt  }
0x80: {  	_ =	shalt  }
0x81: {  	_ =	shalt  }
0x82: {  	_ =	shalt  }
0x83: {  	_ =	shalt  }
0x84: {  	_ =	shalt  }
0x85: {  	_ =	shalt  }
0x86: {  	_ =	shalt  }
0x87: {  	_ =	shalt  }
.Lfunc_end0:
.L_simem_size_0:
called_computation_lowered:
.L_overlay_start_0:
0x88: {  	s2 =	sld [smem:$0x3FD9]  }
0x89: {  	s3 =	sld [smem:$0x3FFE];
	_ =	sdelay $0x1  }
0x8a: {  	s1 =	srdreg.scid  }
0x8b: {  	s0 =	sand.u32 $0x1, s1  }
0x8c: {  	s14 =	sshll.u32 s0, $0xA;
	s2 =	sadd.s32 s3, s2  }
0x8d: {  	s2 =	sadd.s32 s2, s14  }
0x8e: {  	[smem:$0x3FC0] =	sst s2  }
0x8f: {  	_ = 	snop  }
0x90: {  	s2 =	sld [smem:$0x3FC9]  }
0x91: {  	s15 =	sld [smem:$0x3FC8]  }
0x92: {  	s4 =	sld [smem:$0x3FD0]  }
0x93: {  	s5 =	sld [smem:$0x3FC7]  }
0x94: {  	s6 =	sld [smem:$0x3FC6]  }
0x95: {  	s8 =	simm.s32 $0xA;
	s9 =	simm.s32 $0x10;
	s7 =	sld [smem:$0x3FC5]  }
0x96: {  	[smem:s9], [sflag:s8] =	dma.local [hbm:s4], $0x1  }
0x97: {  	_ =	swait.eq [sflag:s8], $0x1  }
0x98: {  	[sflag:s8] =	ssyncset.done $0x0  }
0x99: {  	[sflag:s8] =	ssyncadd.s32 $0xFFFFFFFF  }
0x9a: {  	s16 =	sld [smem:$0x10];
	(tm) =	ssettm $0x1  }
0x9b: {  	s17 =	sld [smem:$0x3FFB];
	_ =	sdelay $0x3  }
0x9c: {  	_ =	strace s17  }
0x9d: {  	s8 =	sld [smem:$0x3FFC];
	_ =	sdelay $0x3  }
0x9e: {  	_ =	strace s8  }
0x9f: {  	s8 =	sld [smem:$0x3FFD];
	_ =	sdelay $0x3  }
0xa0: {  	_ =	strace s8  }
0xa1: {  	_ =	strace $0x8FFFFFFF  }
0xa2: {  	s18 =	sld [smem:$0x3FDB];
	_ =	sdelay $0x1  }
0xa3: {  	s19 =	simm.s32 $_scs_section_size  }
0xa4: {  	s10 =	simm.s32 $_size__tile_overlayer_lowered;
	s11 =	simm.s32 $_tile_overlayer_lowered  }
0xa5: {  	s22 =	simm.s32 $0x1BFF;
	s21 =	sshll.u32 s11, $0x1;
	s8 =	sadd.s32 s19, s18  }
0xa6: {  	s12 =	simm.s32 $0x0;
	s20 =	sshll.u32 s10, $0x1;
	s10 =	sadd.s32 s21, s8  }
0xa7: {  	[timem:s12], [sflag:s22] =	dma.local [hbm:s10], s20  }
0xa8: {  	_ =	swait.ge [sflag:s22], s20  }
0xa9: {  	s9 =	ssub.s32 $0x0, s20;
	[sflag:s22] =	ssyncset.done $0x0  }
0xaa: {  	[sflag:s22] =	ssyncadd.s32 s9;
	_ =	sdelay $0x1  }
0xab: {  	s23 =	simm.s32 $0x1B8B  }
0xac: {  	_ =	swait.ge [sflag:s23], $0x1  }
0xad: {  	[sflag:s23] =	ssyncset.done $0x0  }
0xae: {  	s25 =	simm.s32 $0x1B8E;
	s24 =	sld [smem:$0x3FFE];
	[sflag:s23] =	ssyncadd.s32 $0xFFFFFFFF  }
0xaf: {  	s26 =	simm.s32 $execute0_lowered;
	[smem:$0x3FD2] =	sst s25  }
0xb0: {  	s10 =	sshll.u32 s26, $0x1;
	_ =	strace $0x80000046;
	[dreg:$0x1] =	wrdreg $0xFFFFFFFF  }
0xb1: {  	s28 =	simm.s32 $_size_execute0_lowered;
	s8 =	sadd.s32 s8, s10;
	[dreg:$0x0] =	wrdreg $0x0  }
0xb2: {  	s10 =	sshll.u32 s28, $0x1;
	[dreg:$0x2] =	wrdreg s8  }
0xb3: {  	[dreg:$0x3] =	wrdreg s10  }
0xb4: {  	[dreg:$0x4] =	wrdreg $0xC0  }
0xb5: {  	_ =	task [dreg:s12], $0x5FFFF  }
0xb6: {  	[dreg:$0x1] =	wrdreg $0xFFFFFFFF  }
0xb7: {  	[dreg:$0x0] =	wrdreg $0x60  }
0xb8: {  	[dreg:$0x2] =	wrdreg s15  }
0xb9: {  	[dreg:$0x3] =	wrdreg s5  }
0xba: {  	[dreg:$0x4] =	wrdreg s6  }
0xbb: {  	[dreg:$0x5] =	wrdreg s2  }
0xbc: {  	[dreg:$0x6] =	wrdreg s7  }
0xbd: {  	[dreg:$0x7] =	wrdreg s16  }
0xbe: {  	[dreg:$0x8] =	wrdreg s24  }
0xbf: {  	[dreg:$0x9] =	wrdreg $0x9  }
0xc0: {  	_ =	task.clear_ibuf [dreg:s12], $0xAFFFF;
	_ =	strace $0x90000046  }
0xc1: {  	s29 =	simm.s32 $0x9;
	_ =	strace $0x80000048  }
0xc2: {  	_ =	swait.ge [sflag:s29], $0x1  }
0xc3: {  	[sflag:s29] =	ssyncadd.s32 $0xFFFFFFFF  }
0xc4: {  	_ =	strace $0x90000048  }
0xc5: {  	_ =	sfence  }
0xc6: {  	s30 =	sld [smem:$0x0];
	_ =	sdelay $0x2  }
0xc7: {  	s31 =	sshll.u32 s1, $0xD;
	s1 =	sshrl.u32 s1, $0x2  }
0xc8: {  	s3 =	sand.u32 $0x4000, s31;
	s1 =	sadd.s32 s1, s30  }
0xc9: {  	s0 =	sor.u32 s3, s0;
	s1 =	sshll.u32 s1, $0x11  }
0xca: {  	s0 =	sor.u32 s1, s0  }
0xcb: {  	s0 =	sadd.s32 $0x8F2B, s0  }
0xcc: {  	[sflag:s0] =	ssyncadd.remote.s32 $0x1  }
0xcd: {  	_ =	sfence.sel $0xFFFF  }
0xce: {  	[dreg:$0x0] =	wrdreg $0xFFFFFFFF;
	(pc) =	sbr.abs _section_cstart, $3  }
0xcf: {  	[dreg:$0x1] =	wrdreg $0xFFFFFFFF  }
0xd0: {  	_ =	task.clear_ibuf [dreg:s12], $0x2FFFF;
	_ =	strace $0x9FFFFFFF  }
0xd1: {  	(tm) =	ssettm $0x7FFFFFFF  }
tec
execute0_lowered:
.L_overlay_start_1:
0x0: {  	(tag) =	ssettag $0x1  }
0x1: {  	s5 =	rddreg [dreg:$0x0]  }
0x2: {  	s6 =	rddreg [dreg:$0x1]  }
0x3: {  	s8 =	rddreg [dreg:$0x2]  }
0x4: {  	s1 =	rddreg [dreg:$0x3];
	s2 =	srdreg.scid  }
0x5: {  	s3 =	rddreg [dreg:$0x4];
	s0 =	stileid.u32;
	s21 =	sand.u32 $0x1, s2  }
0x6: {  	s20 =	rddreg [dreg:$0x5];
	s7 =	sshll.u32 s0, $0x6;
	s9 =	sshll.u32 s21, $0x5  }
0x7: {  	s18 =	rddreg [dreg:$0x6];
	s4 =	simm.s32 $0x0;
	s19 =	sor.u32 s9, s7  }
0x8: {  	[smem:$0x7FF] =	sst s4;
	s9 =	sshrl.u32 s19, $0x3  }
0x9: {  	s2 =	rddreg [dreg:$0x7];
	_ =	strace $0x80000047;
	s5 =	sadd.s32 s5, s9  }
0xa: {  	[tilespmem:s4], [sflag:$0x1] =	stream.linear.gather [hbm4b:s5+s4], $0x20, $0x38;
	[tilespmem:$0x4200] =	vst v63  }
0xb: {  	s7 =	simm.s32 $0x100;
	s6 =	sadd.s32 s6, s9  }
0xc: {  	[tilespmem:s7], [sflag:$0x1] =	stream.linear.gather [hbm4b:s6+s4], $0x20, $0x38;
	[tilespmem:$0x4200] =	vst v63  }
0xd: {  	s10 =	simm.s32 $0x1;
	s8 =	sadd.s32 s8, s9;
	s9 =	simm.s32 $0x180  }
0xe: {  	[tilespmem:s9], [sflag:$0x1] =	stream.linear.gather [hbm4b:s8+s4], $0x20, $0x38;
	[tilespmem:$0x4200] =	vst v63  }
0xf: {  	_ =	swait.ge [sflag:s10], $0x20  }
0x10: {  	[sflag:s10] =	ssyncset.done $0x0  }
0x11: {  	[sflag:s10] =	ssyncadd.s32 $0xFFFFFFE0  }
0x12: {  	_ =	swait.ge [sflag:s10], $0x20  }
0x13: {  	[sflag:s10] =	ssyncset.done $0x0  }
0x14: {  	[sflag:s10] =	ssyncadd.s32 $0xFFFFFFE0  }
0x15: {  	_ =	swait.ge [sflag:s10], $0x20  }
0x16: {  	[sflag:s10] =	ssyncset.done $0x0  }
0x17: {  	[sflag:s10] =	ssyncadd.s32 $0xFFFFFFE0  }
0x18: {  	v4 =	vld [tilespmem:$0x100];
	_ =	sdelay $0x4  }
0x19: {  	v0 =	vmax.f32 v4, $9.999999930e-09  }
0x1a: {  	(erf) = vrcp.f32 v0;
	v0 =	vmov s19  }
0x1b: {  	v6 =	vld [tilespmem:$0x0];
	v0 =	vmul.u32 $0x3E8, v0  }
0x1c: {  	v9 =	vlaneseq.u32  }
0x1d: {  	v8 =	vmul.u32 $0x3E8, v9;
	v5 =	vld [tilespmem:$0x180];
	v7 =	vbroadcast v0, $0x0;
	_ =	sdelay $0x1  }
0x1e: {  	v2 =	vadd.s32 v8, v7  }
0x1f: {  	s11 =	sand.u32 $0xE, s0;
	v0 =	vmul.u32 $0x80, v9;
	v11 =	vadd.s32 v6, v2  }
0x20: {  	v1 =	vmov s11  }
0x21: {  	v5 =	vsub.f32 v4, v5;
	v10 =	vshll.u32 v6, $0x4;
	v3 =	vor.u32 $0x1, v0  }
0x22: {  	v4 =	vor.u32 $0x1, v1;
	v12 =	vor.u32 v1, v10;
	[tilespmem:$0x0] =	vst v11;
	v11 =	vpop (erf)  }
0x23: {  	v10 =	vor.u32 v4, v10;
	[tilespmem:$0x80] =	vst v12;
	v11 =	vmul.f32 v11, v5  }
0x24: {  	s11 =	simm.s32 $0x3200;
	vm0 =	veq.s32 v6, $0x0;
	[tilespmem:$0xA0] =	vst v10;
	v5 =	vimm.f32 $1.000000000e+00  }
0x25: {  	v6 =	vsel vm0, $0x0, v5;
	[tilespmem:v0+s11+$0x0] =	vst.idx.msk $0xffff, v11  }
0x26: {  	[tilespmem:v3+s11+$0x0] =	vst.idx.msk $0xffff, v6  }
0x27: {  	v10 =	vld [tilespmem:$0x110];
	_ =	sdelay $0x4  }
0x28: {  	v6 =	vmax.f32 v10, $9.999999930e-09  }
0x29: {  	(erf) = vrcp.f32 v6  }
0x2a: {  	v12 =	vld [tilespmem:$0x10];
	_ =	sdelay $0x1  }
0x2b: {  	v11 =	vld [tilespmem:$0x190]  }
0x2c: {  	v6 =	vadd.s32 $0x3E80, v8  }
0x2d: {  	v6 =	vadd.s32 v6, v7  }
0x2e: {  	v13 =	vadd.s32 v12, v6  }
0x2f: {  	v7 =	vor.u32 $0x800, v0  }
0x30: {  	v10 =	vsub.f32 v10, v11;
	v11 =	vshll.u32 v12, $0x4;
	v8 =	vor.u32 $0x801, v0  }
0x31: {  	v14 =	vor.u32 v4, v11;
	[tilespmem:$0x10] =	vst v13;
	v13 =	vpop (erf)  }
0x32: {  	v11 =	vor.u32 v1, v11;
	[tilespmem:$0xB0] =	vst v14;
	v10 =	vmul.f32 v13, v10  }
0x33: {  	vm15 =	veq.s32 v12, $0x0;
	[tilespmem:$0x90] =	vst v11  }
0x34: {  	s12 =	simm.s32 $0x20;
	v11 =	vsel vm15, $0x0, v5;
	[tilespmem:v7+s11+$0x0] =	vst.idx.msk $0xffff, v10  }
0x35: {  	s13 =	simm.s32 $0x200;
	s14 =	simm.s32 $0x40;
	s22 =	sand.u32 $0x60, s19;
	v14 =	vmul.u32 $0x81, v9;
	[tilespmem:v8+s11+$0x0] =	vst.idx.msk $0xffff, v11  }
0x36: {  	[tilespmem:s13], [sflag:$0x1] =	stream.indirect.gather [hbm4b:s1+s12], $0x80, s4, s12, $0xb8;
	[tilespmem:$0x4200] =	vst v63  }
0x37: {  	s15 =	simm.s32 $0x80;
	s16 =	simm.s32 $0x1200;
	s17 =	simm.s32 $0x2;
	v9 =	vor.u32 s22, v14  }
0x38: {  	[tilespmem:s16], [sflag:$0x2] =	stream.indirect.gather [hbm4b:s3+s14], $0x80, s15, s14, $0xb8;
	[tilespmem:$0x4200] =	vst v63  }
0x39: {  	_ =	swait.ge [sflag:s17], $0x2000  }
0x3a: {  	[sflag:s17] =	ssyncset.done $0x0  }
0x3b: {  	[sflag:s17] =	ssyncadd.s32 $0xFFFFE000  }
0x3c: {  	v10 =	vor.u32 $0x2, v0;
	v11 =	vadd.s32 $0x810, v14;
	v12 =	vld.idx.msk [tilespmem:v9+s16+$0x0], $0xffff  }
0x3d: {  	v11 =	vor.u32 s22, v11;
	_ =	sdelay $0x3  }
0x3e: {  	[tilespmem:v10+s11+$0x0] =	vst.idx.msk $0xffff, v12  }
0x3f: {  	v13 =	vor.u32 $0x1000, v14;
	v12 =	vor.u32 $0x802, v0;
	v15 =	vld.idx.msk [tilespmem:v11+s16+$0x0], $0xffff  }
0x40: {  	v13 =	vor.u32 s22, v13;
	_ =	sdelay $0x3  }
0x41: {  	[tilespmem:v12+s11+$0x0] =	vst.idx.msk $0xffff, v15  }
0x42: {  	v15 =	vadd.s32 $0x1810, v14;
	v14 =	vor.u32 $0x3, v0;
	v16 =	vld.idx.msk [tilespmem:v13+s16+$0x0], $0xffff  }
0x43: {  	v15 =	vor.u32 s22, v15;
	_ =	sdelay $0x3  }
0x44: {  	[tilespmem:v14+s11+$0x0] =	vst.idx.msk $0xffff, v16  }
0x45: {  	v16 =	vor.u32 $0x803, v0;
	v17 =	vld.idx.msk [tilespmem:v15+s16+$0x0], $0xffff;
	_ =	sdelay $0x2  }
0x46: {  	s31 =	sshll.u32 s19, $0x4  }
0x47: {  	s21 =	ssub.s32 $0x2, s21;
	s18 =	sadd.s32 s31, s18  }
0x48: {  	s23 =	sshrl.u32 s21, $0x1;
	s19 =	sadd.s32 $0x1000, s18;
	s18 =	simm.s32 $0x3;
	[tilespmem:v16+s11+$0x0] =	vst.idx.msk $0xffff, v17  }
0x49: {  	[hbm4b:s19+s4] =	stream.linear.scatter [tilespmem:s11], [sflag:$0x3], $0x1000, $0x38;
	[tilespmem:$0x4200] =	vst v63  }
0x4a: {  	s21 =	ssub.s32 s21, s23;
	_ =	swait.ge [sflag:s18], $0x1000  }
0x4b: {  	s21 =	smax.u32 s21, $0x1;
	[sflag:s18] =	ssyncset.done $0x0  }
0x4c: {  	p0 =	sne.s32 s21, $0x1;
	[sflag:s18] =	ssyncadd.s32 $0xFFFFF000  }
.Ltmp0:
0x4d: {  	_ =	swait.ge [sflag:s10], $0x1000;
	(pc) =	sbr.rel @!p0 .LBB2_2-.Ltmp0, $4  }
0x4e: {  	[sflag:s10] =	ssyncset.done $0x0  }
0x4f: {  	s20 =	sadd.s32 s20, s31;
	[sflag:s10] =	ssyncadd.s32 $0xFFFFF000  }
0x50: {  	[hbm4b:s20+s4] =	stream.linear.scatter [tilespmem:s13], [sflag:$0x3], $0x1000, $0x38;
	[tilespmem:$0x4200] =	vst v63  }
0x51: {  	s21 =	sadd.s32 $0xFFFFFFFF, s21;
	_ =	swait.ge [sflag:s18], $0x1000  }
.LBB2_1:
0x52: {  	p0 =	sne.s32 s21, $0x1;
	s21 =	sadd.s32 $0xFFFFFFFF, s21;
	[sflag:s18] =	ssyncset.done $0x0  }
0x53: {  	[sflag:s18] =	ssyncadd.s32 $0xFFFFF000  }
0x54: {  	[tilespmem:s4], [sflag:$0x1] =	stream.linear.gather [hbm4b:s5+s4], $0x20, $0x38;
	[tilespmem:$0x4200] =	vst v63  }
0x55: {  	_ = 	snop  }
0x56: {  	[tilespmem:s7], [sflag:$0x1] =	stream.linear.gather [hbm4b:s6+s4], $0x20, $0x38;
	[tilespmem:$0x4200] =	vst v63  }
0x57: {  	_ = 	snop  }
0x58: {  	[tilespmem:s9], [sflag:$0x1] =	stream.linear.gather [hbm4b:s8+s4], $0x20, $0x38;
	[tilespmem:$0x4200] =	vst v63  }
0x59: {  	_ =	swait.ge [sflag:s10], $0x20  }
0x5a: {  	[sflag:s10] =	ssyncset.done $0x0  }
0x5b: {  	[sflag:s10] =	ssyncadd.s32 $0xFFFFFFE0  }
0x5c: {  	_ =	swait.ge [sflag:s10], $0x20  }
0x5d: {  	[sflag:s10] =	ssyncset.done $0x0  }
0x5e: {  	[sflag:s10] =	ssyncadd.s32 $0xFFFFFFE0  }
0x5f: {  	_ =	swait.ge [sflag:s10], $0x20  }
0x60: {  	[sflag:s10] =	ssyncset.done $0x0  }
0x61: {  	[sflag:s10] =	ssyncadd.s32 $0xFFFFFFE0  }
0x62: {  	v17 =	vld [tilespmem:$0x100];
	_ =	sdelay $0x4  }
0x63: {  	v18 =	vmax.f32 v17, $9.999999930e-09  }
0x64: {  	(erf) = vrcp.f32 v18;
	_ =	sdelay $0x1  }
0x65: {  	v18 =	vld [tilespmem:$0x180]  }
0x66: {  	v19 =	vld [tilespmem:$0x0];
	_ =	sdelay $0x3  }
0x67: {  	v17 =	vsub.f32 v17, v18  }
0x68: {  	v18 =	vshll.u32 v19, $0x4;
	v21 =	vadd.s32 v19, v2;
	vm0 =	veq.s32 v19, $0x0  }
0x69: {  	v19 =	vor.u32 v1, v18;
	v18 =	vor.u32 v4, v18;
	[tilespmem:$0x0] =	vst v21;
	v20 =	vpop (erf)  }
0x6a: {  	[tilespmem:$0x80] =	vst v19;
	v17 =	vmul.f32 v20, v17  }
0x6b: {  	[tilespmem:$0xA0] =	vst v18;
	v18 =	vsel vm0, $0x0, v5  }
0x6c: {  	[tilespmem:v0+s11+$0x0] =	vst.idx.msk $0xffff, v17  }
0x6d: {  	[tilespmem:v3+s11+$0x0] =	vst.idx.msk $0xffff, v18  }
0x6e: {  	v17 =	vld [tilespmem:$0x110];
	_ =	sdelay $0x4  }
0x6f: {  	v18 =	vmax.f32 v17, $9.999999930e-09  }
0x70: {  	(erf) = vrcp.f32 v18;
	_ =	sdelay $0x1  }
0x71: {  	v18 =	vld [tilespmem:$0x190]  }
0x72: {  	v19 =	vld [tilespmem:$0x10];
	_ =	sdelay $0x3  }
0x73: {  	v17 =	vsub.f32 v17, v18  }
0x74: {  	v18 =	vshll.u32 v19, $0x4;
	v21 =	vadd.s32 v19, v6;
	vm0 =	veq.s32 v19, $0x0  }
0x75: {  	v19 =	vor.u32 v1, v18;
	v18 =	vor.u32 v4, v18;
	[tilespmem:$0x10] =	vst v21;
	v20 =	vpop (erf)  }
0x76: {  	[tilespmem:$0xB0] =	vst v18;
	v17 =	vmul.f32 v20, v17  }
0x77: {  	v18 =	vsel vm0, $0x0, v5;
	[tilespmem:$0x90] =	vst v19  }
0x78: {  	[tilespmem:v7+s11+$0x0] =	vst.idx.msk $0xffff, v17  }
0x79: {  	[tilespmem:v8+s11+$0x0] =	vst.idx.msk $0xffff, v18  }
0x7a: {  	[tilespmem:s13], [sflag:$0x1] =	stream.indirect.gather [hbm4b:s1+s12], $0x80, s4, s12, $0xb8;
	[tilespmem:$0x4200] =	vst v63  }
0x7b: {  	_ = 	snop  }
0x7c: {  	[tilespmem:s16], [sflag:$0x2] =	stream.indirect.gather [hbm4b:s3+s14], $0x80, s15, s14, $0xb8;
	[tilespmem:$0x4200] =	vst v63  }
0x7d: {  	_ =	swait.ge [sflag:s17], $0x2000  }
0x7e: {  	[sflag:s17] =	ssyncset.done $0x0  }
0x7f: {  	[sflag:s17] =	ssyncadd.s32 $0xFFFFE000  }
0x80: {  	v17 =	vld.idx.msk [tilespmem:v9+s16+$0x0], $0xffff;
	_ =	sdelay $0x5  }
0x81: {  	[tilespmem:v10+s11+$0x0] =	vst.idx.msk $0xffff, v17  }
0x82: {  	v17 =	vld.idx.msk [tilespmem:v11+s16+$0x0], $0xffff;
	_ =	sdelay $0x5  }
0x83: {  	[tilespmem:v12+s11+$0x0] =	vst.idx.msk $0xffff, v17  }
0x84: {  	v17 =	vld.idx.msk [tilespmem:v13+s16+$0x0], $0xffff;
	_ =	sdelay $0x5  }
0x85: {  	[tilespmem:v14+s11+$0x0] =	vst.idx.msk $0xffff, v17  }
0x86: {  	v17 =	vld.idx.msk [tilespmem:v15+s16+$0x0], $0xffff;
	_ =	sdelay $0x5  }
0x87: {  	[tilespmem:v16+s11+$0x0] =	vst.idx.msk $0xffff, v17  }
0x88: {  	[hbm4b:s19+s4] =	stream.linear.scatter [tilespmem:s11], [sflag:$0x3], $0x1000, $0x38;
	[tilespmem:$0x4200] =	vst v63  }
0x89: {  	_ =	swait.ge [sflag:s18], $0x1000  }
0x8a: {  	[sflag:s18] =	ssyncset.done $0x0  }
0x8b: {  	[sflag:s18] =	ssyncadd.s32 $0xFFFFF000  }
.Ltmp1:
0x8c: {  	_ =	swait.ge [sflag:s10], $0x1000;
	(pc) =	sbr.rel @p0 .LBB2_1-.Ltmp1, $4  }
0x8d: {  	[sflag:s10] =	ssyncset.done $0x0  }
0x8e: {  	[sflag:s10] =	ssyncadd.s32 $0xFFFFF000  }
0x8f: {  	[hbm4b:s20+s4] =	stream.linear.scatter [tilespmem:s13], [sflag:$0x3], $0x1000, $0x38;
	[tilespmem:$0x4200] =	vst v63  }
0x90: {  	_ =	swait.ge [sflag:s18], $0x1000  }
.LBB2_2:
0x91: {  	[sflag:s18] =	ssyncset.done $0x0  }
0x92: {  	[sflag:s18] =	ssyncadd.s32 $0xFFFFF000  }
0x93: {  	_ =	sfence.sel $0x180000  }
0x94: {  	[bflag:$0x0] =	sbarrier.arrive $0xFFFF  }
0x95: {  	p0 =	sne.s32 s0, $0x0;
	_ =	strace $0x90000047  }
0x96: {  	s0 =	sadd.s32 @!p0 $0x100000, s2;
	[bflag:$0x2] =	sbarrier.arrive $0xFFFF  }
0x97: {  	[sflag:s0] =	ssyncadd.tile.s32 @!p0 $0x1;
	_ =	shalt  }
.Lfunc_end2:
_tile_overlayer_lowered:
.L_overlay_start_2:
0x98: {  	(tag) =	ssettag $0x2  }
0x99: {  	s0 =	rddreg [dreg:$0x0];
	s2 =	stileid.u32  }
0x9a: {  	s1 =	rddreg [dreg:$0x1];
	p0 =	sne.s32 s2, $0x0  }
0x9b: {  	s3 =	rddreg [dreg:$0x2];
	[bflag:$0x3] =	sbarrier.arrive $0xFFFF;
	s2 =	simm.s32 @!p0 $0x1C03  }
0x9c: {  	[timem:s3], [sflag:s2] =	dma.local @!p0 [hbm:s0], s1  }
0x9d: {  	s0 =	simm.s32 @!p0 $0x3  }
0x9e: {  	_ =	swait.ge @!p0 [sflag:s0], s1  }
0x9f: {  	s1 =	ssub.s32 @!p0 $0x0, s1;
	[sflag:s0] =	ssyncset.done @!p0 $0x0  }
0xa0: {  	[sflag:s0] =	ssyncadd.s32 @!p0 s1  }
0xa1: {  	[bflag:$0x3] =	sbarrier.arrive $0xFFFF  }
0xa2: {  	_ =	shalt  }

</sc_bundles>
